<compile_context>
chip_gen: v7x
topology: tpu7x:2x2x1
jax: 0.10.2.dev20260603
libtpu: 0.0.44.dev20260713+nightly
codegen_flags: <defaults>
</compile_context>

<pallas_src>
import functools

import jax
import jax.numpy as jnp
from jax import lax
from jax.experimental import pallas as pl
from jax.experimental.pallas import tpu as pltpu
from jax.experimental.pallas import tpu_sc as plsc

VOCAB_SIZE = 1000000
EMB_SIZE = 64
N = 16384

NUM_CORES = 2
NUM_SUBCORES = 16
NUM_WORKERS = NUM_CORES * NUM_SUBCORES
B_PER_W = N // NUM_WORKERS


@functools.partial(
    pl.kernel,
    out_type=jax.ShapeDtypeStruct((N, EMB_SIZE), jnp.float32),
    mesh=plsc.VectorSubcoreMesh(core_axis_name="c", subcore_axis_name="s"),
    scratch_types=[
        pltpu.VMEM((B_PER_W,), jnp.int32),
        pltpu.SemaphoreType.DMA,
    ],
)
def _gather_kernel(ids_hbm, table_hbm, out_hbm, idx_v, sem):
    wid = lax.axis_index("s") * NUM_CORES + lax.axis_index("c")
    base = wid * B_PER_W
    pltpu.sync_copy(ids_hbm.at[wid], idx_v)

    n_groups = B_PER_W // 16

    def body(g, carry):
        @pl.when(g < n_groups)
        def _issue():
            ids16 = idx_v[pl.ds(g * 16, 16)]
            for j in range(16):
                rid = ids16[j]
                pltpu.async_copy(
                    table_hbm.at[rid], out_hbm.at[base + g * 16 + j], sem
                )

        @pl.when(g > 0)
        def _drain():
            pltpu.make_async_copy(
                table_hbm.at[pl.ds(0, 16)], out_hbm.at[pl.ds(base, 16)], sem
            ).wait()

        return carry

    lax.fori_loop(0, n_groups + 1, body, 0)


def kernel(vocab_ids, table):
    ids2d = vocab_ids.reshape(NUM_WORKERS, B_PER_W)
    out = _gather_kernel(ids2d, table)
    return out.reshape(N, 1, EMB_SIZE)

# --- scband reference (transcript-rebuilt; emitter-appended) ---
"""Pipeline reference for scband-node-embeddings-23210003268246 (READ-ONLY COPY).

The authoritative reference and input builder live on the scoring server;
editing this copy changes nothing except your own understanding.
"""

import jax, jax.numpy as jnp
import numpy as np

VOCAB_SIZE = 1000000
EMB_SIZE = 64
N = 16384


def setup_inputs(seed: int = 0) -> dict:
    key = jax.random.key(seed)
    k1, k2 = jax.random.split(key)
    vocab_ids = jax.random.randint(k1, (N, 1), 0, VOCAB_SIZE)
    # nn.Embedding default init: N(0, 1)
    table = jax.random.normal(k2, (VOCAB_SIZE, EMB_SIZE), dtype=jnp.float32)
    return {"vocab_ids": vocab_ids, "table": table}


def reference(vocab_ids, table):
    # inst2vec_embeddings == 'random' branch: plain embedding lookup
    embs = jnp.take(table, vocab_ids, axis=0)  # [N, 1, EMB_SIZE]
    return embs

if __name__ == "__main__":
    import jax
    _d = setup_inputs()
    print(jax.jit(kernel)(*tuple(_d.values())))

</pallas_src>

<mosaic_0001>
#map = affine_map<(d0, d1) -> (0, 0)>
module attributes {stable_mosaic.version = 14 : i64} {
  func.func @_gather_kernel(%arg0: i32, %arg1: i32, %arg2: memref<32x512xi32, #tpu.memory_space<hbm>>, %arg3: memref<1000000x64xf32, #tpu.memory_space<hbm>>, %arg4: memref<16384x64xf32, #tpu.memory_space<hbm>>, %arg5: memref<512xi32, #tpu.memory_space<vmem>>, %arg6: memref<!tpu.dma_semaphore, #tpu.memory_space<semaphore_mem>>) attributes {dimension_semantics = [#tpu.dimension_semantics<core_parallel>, #tpu.dimension_semantics<subcore_parallel>], iteration_bounds = array<i64: 2, 16>, scalar_prefetch = 0 : i64, scratch_operands = 2 : i64, tpu.core_type = #tpu.core_type<sc_vector_subcore>, window_params = [{transform_indices = #map}, {transform_indices = #map}, {transform_indices = #map}]} {
    %mul3A = arith.constant 2 : i32
    %mul3A_0 = arith.muli %arg1, %mul3A : i32
    %add3A = arith.addi %mul3A_0, %arg0 : i32
    %mul3A_1 = arith.constant 512 : i32
    %mul3A_2 = arith.muli %add3A, %mul3A_1 : i32
    "tpu.region"() ({
      %run_scoped3A = tpu.sem_alloc : memref<!tpu.dma_semaphore, #tpu.memory_space<semaphore_mem>>
      %dma_start3A = arith.constant 0 : i32
      %dma_start3A_8 = tpu.memref_slice %arg2[%add3A, %dma_start3A] : memref<32x512xi32, #tpu.memory_space<hbm>> -> memref<1x512xi32, #tpu.memory_space<hbm>>
      %dma_start3A_9 = tpu.memref_squeeze %dma_start3A_8 : memref<1x512xi32, #tpu.memory_space<hbm>> -> memref<512xi32, #tpu.memory_space<hbm>>
      %dma_start3A_10 = arith.constant 0 : i32
      %dma_start3A_11 = tpu.memref_slice %arg2[%add3A, %dma_start3A_10] : memref<32x512xi32, #tpu.memory_space<hbm>> -> memref<1x512xi32, #tpu.memory_space<hbm>>
      %dma_start3A_12 = tpu.memref_squeeze %dma_start3A_11 : memref<1x512xi32, #tpu.memory_space<hbm>> -> memref<512xi32, #tpu.memory_space<hbm>>
      tpu.enqueue_dma source(%dma_start3A_12 : memref<512xi32, #tpu.memory_space<hbm>>) target(%arg5 : memref<512xi32, #tpu.memory_space<vmem>>) target_semaphore(%run_scoped3A : memref<!tpu.dma_semaphore, #tpu.memory_space<semaphore_mem>>)
      %dma_wait3A = arith.constant 0 : i32
      %dma_wait3A_13 = tpu.memref_slice %arg2[%add3A, %dma_wait3A] : memref<32x512xi32, #tpu.memory_space<hbm>> -> memref<1x512xi32, #tpu.memory_space<hbm>>
      %dma_wait3A_14 = tpu.memref_squeeze %dma_wait3A_13 : memref<1x512xi32, #tpu.memory_space<hbm>> -> memref<512xi32, #tpu.memory_space<hbm>>
      %dma_wait3A_15 = arith.constant 0 : i32
      %dma_wait3A_16 = tpu.memref_slice %arg2[%add3A, %dma_wait3A_15] : memref<32x512xi32, #tpu.memory_space<hbm>> -> memref<1x512xi32, #tpu.memory_space<hbm>>
      %dma_wait3A_17 = tpu.memref_squeeze %dma_wait3A_16 : memref<1x512xi32, #tpu.memory_space<hbm>> -> memref<512xi32, #tpu.memory_space<hbm>>
      tpu.wait_dma2 semaphore(%run_scoped3A : memref<!tpu.dma_semaphore, #tpu.memory_space<semaphore_mem>>) src(%dma_wait3A_17 : memref<512xi32, #tpu.memory_space<hbm>>) dst(%arg5 : memref<512xi32, #tpu.memory_space<vmem>>)
      tpu.yield
    }) : () -> ()
    %scan3A = arith.constant 0 : i32
    %scan3A_3 = arith.constant 0 : i32
    %scan3A_4 = arith.constant 33 : i32
    %scan3A_5 = arith.addi %scan3A_3, %scan3A_4 : i32
    %scan3A_6 = arith.constant 1 : i32
    scf.for %scan3A_8 = %scan3A_3 to %scan3A_5 step %scan3A_6  : i32 {
      %lt3A = arith.constant 32 : i32
      %lt3A_9 = arith.cmpi slt, %scan3A_8, %lt3A : i32
      %convert_element_type3A = arith.extui %lt3A_9 : i1 to i32
      %cond3A = arith.constant 0 : i32
      %cond3A_10 = arith.cmpi ne, %convert_element_type3A, %cond3A : i32
      scf.if %cond3A_10 {
        %mul3A_15 = arith.constant 16 : i32
        %mul3A_16 = arith.muli %scan3A_8, %mul3A_15 : i32
        %get3A = arith.index_cast %mul3A_16 : i32 to index
        %get3A_17 = tpu.vector_load %arg5[%get3A] {strides = array<i32>} : memref<512xi32, #tpu.memory_space<vmem>>, vector<16xi32>,
        %get3A_18 = vector.shape_cast %get3A_17 : vector<16xi32> to vector<16xi32>
        %slice3A = vector.extract_strided_slice %get3A_18 {offsets = [0], sizes = [1], strides = [1]} : vector<16xi32> to vector<1xi32>
        %squeeze3A = vector.extract %slice3A[0] : i32 from vector<1xi32>
        %mul3A_19 = arith.constant 16 : i32
        %mul3A_20 = arith.muli %scan3A_8, %mul3A_19 : i32
        %add3A_21 = arith.addi %mul3A_2, %mul3A_20 : i32
        %add3A_22 = arith.constant 0 : i32
        %add3A_23 = arith.addi %add3A_21, %add3A_22 : i32
        %dma_start3A = arith.constant 0 : i32
        %dma_start3A_24 = tpu.memref_slice %arg4[%add3A_23, %dma_start3A] : memref<16384x64xf32, #tpu.memory_space<hbm>> -> memref<1x64xf32, #tpu.memory_space<hbm>>
        %dma_start3A_25 = tpu.memref_squeeze %dma_start3A_24 : memref<1x64xf32, #tpu.memory_space<hbm>> -> memref<64xf32, #tpu.memory_space<hbm>>
        %dma_start3A_26 = arith.constant 0 : i32
        %dma_start3A_27 = tpu.memref_slice %arg3[%squeeze3A, %dma_start3A_26] : memref<1000000x64xf32, #tpu.memory_space<hbm>> -> memref<1x64xf32, #tpu.memory_space<hbm>>
        %dma_start3A_28 = tpu.memref_squeeze %dma_start3A_27 : memref<1x64xf32, #tpu.memory_space<hbm>> -> memref<64xf32, #tpu.memory_space<hbm>>
        tpu.enqueue_dma source(%dma_start3A_28 : memref<64xf32, #tpu.memory_space<hbm>>) target(%dma_start3A_25 : memref<64xf32, #tpu.memory_space<hbm>>) target_semaphore(%arg6 : memref<!tpu.dma_semaphore, #tpu.memory_space<semaphore_mem>>)
        %slice3A_29 = vector.extract_strided_slice %get3A_18 {offsets = [1], sizes = [1], strides = [1]} : vector<16xi32> to vector<1xi32>
        %squeeze3A_30 = vector.extract %slice3A_29[0] : i32 from vector<1xi32>
        %mul3A_31 = arith.constant 16 : i32
        %mul3A_32 = arith.muli %scan3A_8, %mul3A_31 : i32
        %add3A_33 = arith.addi %mul3A_2, %mul3A_32 : i32
        %add3A_34 = arith.constant 1 : i32
        %add3A_35 = arith.addi %add3A_33, %add3A_34 : i32
        %dma_start3A_36 = arith.constant 0 : i32
        %dma_start3A_37 = tpu.memref_slice %arg4[%add3A_35, %dma_start3A_36] : memref<16384x64xf32, #tpu.memory_space<hbm>> -> memref<1x64xf32, #tpu.memory_space<hbm>>
        %dma_start3A_38 = tpu.memref_squeeze %dma_start3A_37 : memref<1x64xf32, #tpu.memory_space<hbm>> -> memref<64xf32, #tpu.memory_space<hbm>>
        %dma_start3A_39 = arith.constant 0 : i32
        %dma_start3A_40 = tpu.memref_slice %arg3[%squeeze3A_30, %dma_start3A_39] : memref<1000000x64xf32, #tpu.memory_space<hbm>> -> memref<1x64xf32, #tpu.memory_space<hbm>>
        %dma_start3A_41 = tpu.memref_squeeze %dma_start3A_40 : memref<1x64xf32, #tpu.memory_space<hbm>> -> memref<64xf32, #tpu.memory_space<hbm>>
        tpu.enqueue_dma source(%dma_start3A_41 : memref<64xf32, #tpu.memory_space<hbm>>) target(%dma_start3A_38 : memref<64xf32, #tpu.memory_space<hbm>>) target_semaphore(%arg6 : memref<!tpu.dma_semaphore, #tpu.memory_space<semaphore_mem>>)
        %slice3A_42 = vector.extract_strided_slice %get3A_18 {offsets = [2], sizes = [1], strides = [1]} : vector<16xi32> to vector<1xi32>
        %squeeze3A_43 = vector.extract %slice3A_42[0] : i32 from vector<1xi32>
        %mul3A_44 = arith.constant 16 : i32
        %mul3A_45 = arith.muli %scan3A_8, %mul3A_44 : i32
        %add3A_46 = arith.addi %mul3A_2, %mul3A_45 : i32
        %add3A_47 = arith.constant 2 : i32
        %add3A_48 = arith.addi %add3A_46, %add3A_47 : i32
        %dma_start3A_49 = arith.constant 0 : i32
        %dma_start3A_50 = tpu.memref_slice %arg4[%add3A_48, %dma_start3A_49] : memref<16384x64xf32, #tpu.memory_space<hbm>> -> memref<1x64xf32, #tpu.memory_space<hbm>>
        %dma_start3A_51 = tpu.memref_squeeze %dma_start3A_50 : memref<1x64xf32, #tpu.memory_space<hbm>> -> memref<64xf32, #tpu.memory_space<hbm>>
        %dma_start3A_52 = arith.constant 0 : i32
        %dma_start3A_53 = tpu.memref_slice %arg3[%squeeze3A_43, %dma_start3A_52] : memref<1000000x64xf32, #tpu.memory_space<hbm>> -> memref<1x64xf32, #tpu.memory_space<hbm>>
        %dma_start3A_54 = tpu.memref_squeeze %dma_start3A_53 : memref<1x64xf32, #tpu.memory_space<hbm>> -> memref<64xf32, #tpu.memory_space<hbm>>
        tpu.enqueue_dma source(%dma_start3A_54 : memref<64xf32, #tpu.memory_space<hbm>>) target(%dma_start3A_51 : memref<64xf32, #tpu.memory_space<hbm>>) target_semaphore(%arg6 : memref<!tpu.dma_semaphore, #tpu.memory_space<semaphore_mem>>)
        %slice3A_55 = vector.extract_strided_slice %get3A_18 {offsets = [3], sizes = [1], strides = [1]} : vector<16xi32> to vector<1xi32>
        %squeeze3A_56 = vector.extract %slice3A_55[0] : i32 from vector<1xi32>
        %mul3A_57 = arith.constant 16 : i32
        %mul3A_58 = arith.muli %scan3A_8, %mul3A_57 : i32
        %add3A_59 = arith.addi %mul3A_2, %mul3A_58 : i32
        %add3A_60 = arith.constant 3 : i32
        %add3A_61 = arith.addi %add3A_59, %add3A_60 : i32
        %dma_start3A_62 = arith.constant 0 : i32
        %dma_start3A_63 = tpu.memref_slice %arg4[%add3A_61, %dma_start3A_62] : memref<16384x64xf32, #tpu.memory_space<hbm>> -> memref<1x64xf32, #tpu.memory_space<hbm>>
        %dma_start3A_64 = tpu.memref_squeeze %dma_start3A_63 : memref<1x64xf32, #tpu.memory_space<hbm>> -> memref<64xf32, #tpu.memory_space<hbm>>
        %dma_start3A_65 = arith.constant 0 : i32
        %dma_start3A_66 = tpu.memref_slice %arg3[%squeeze3A_56, %dma_start3A_65] : memref<1000000x64xf32, #tpu.memory_space<hbm>> -> memref<1x64xf32, #tpu.memory_space<hbm>>
        %dma_start3A_67 = tpu.memref_squeeze %dma_start3A_66 : memref<1x64xf32, #tpu.memory_space<hbm>> -> memref<64xf32, #tpu.memory_space<hbm>>
        tpu.enqueue_dma source(%dma_start3A_67 : memref<64xf32, #tpu.memory_space<hbm>>) target(%dma_start3A_64 : memref<64xf32, #tpu.memory_space<hbm>>) target_semaphore(%arg6 : memref<!tpu.dma_semaphore, #tpu.memory_space<semaphore_mem>>)
        %slice3A_68 = vector.extract_strided_slice %get3A_18 {offsets = [4], sizes = [1], strides = [1]} : vector<16xi32> to vector<1xi32>
        %squeeze3A_69 = vector.extract %slice3A_68[0] : i32 from vector<1xi32>
        %mul3A_70 = arith.constant 16 : i32
        %mul3A_71 = arith.muli %scan3A_8, %mul3A_70 : i32
        %add3A_72 = arith.addi %mul3A_2, %mul3A_71 : i32
        %add3A_73 = arith.constant 4 : i32
        %add3A_74 = arith.addi %add3A_72, %add3A_73 : i32
        %dma_start3A_75 = arith.constant 0 : i32
        %dma_start3A_76 = tpu.memref_slice %arg4[%add3A_74, %dma_start3A_75] : memref<16384x64xf32, #tpu.memory_space<hbm>> -> memref<1x64xf32, #tpu.memory_space<hbm>>
        %dma_start3A_77 = tpu.memref_squeeze %dma_start3A_76 : memref<1x64xf32, #tpu.memory_space<hbm>> -> memref<64xf32, #tpu.memory_space<hbm>>
        %dma_start3A_78 = arith.constant 0 : i32
        %dma_start3A_79 = tpu.memref_slice %arg3[%squeeze3A_69, %dma_start3A_78] : memref<1000000x64xf32, #tpu.memory_space<hbm>> -> memref<1x64xf32, #tpu.memory_space<hbm>>
        %dma_start3A_80 = tpu.memref_squeeze %dma_start3A_79 : memref<1x64xf32, #tpu.memory_space<hbm>> -> memref<64xf32, #tpu.memory_space<hbm>>
        tpu.enqueue_dma source(%dma_start3A_80 : memref<64xf32, #tpu.memory_space<hbm>>) target(%dma_start3A_77 : memref<64xf32, #tpu.memory_space<hbm>>) target_semaphore(%arg6 : memref<!tpu.dma_semaphore, #tpu.memory_space<semaphore_mem>>)
        %slice3A_81 = vector.extract_strided_slice %get3A_18 {offsets = [5], sizes = [1], strides = [1]} : vector<16xi32> to vector<1xi32>
        %squeeze3A_82 = vector.extract %slice3A_81[0] : i32 from vector<1xi32>
        %mul3A_83 = arith.constant 16 : i32
        %mul3A_84 = arith.muli %scan3A_8, %mul3A_83 : i32
        %add3A_85 = arith.addi %mul3A_2, %mul3A_84 : i32
        %add3A_86 = arith.constant 5 : i32
        %add3A_87 = arith.addi %add3A_85, %add3A_86 : i32
        %dma_start3A_88 = arith.constant 0 : i32
        %dma_start3A_89 = tpu.memref_slice %arg4[%add3A_87, %dma_start3A_88] : memref<16384x64xf32, #tpu.memory_space<hbm>> -> memref<1x64xf32, #tpu.memory_space<hbm>>
        %dma_start3A_90 = tpu.memref_squeeze %dma_start3A_89 : memref<1x64xf32, #tpu.memory_space<hbm>> -> memref<64xf32, #tpu.memory_space<hbm>>
        %dma_start3A_91 = arith.constant 0 : i32
        %dma_start3A_92 = tpu.memref_slice %arg3[%squeeze3A_82, %dma_start3A_91] : memref<1000000x64xf32, #tpu.memory_space<hbm>> -> memref<1x64xf32, #tpu.memory_space<hbm>>
        %dma_start3A_93 = tpu.memref_squeeze %dma_start3A_92 : memref<1x64xf32, #tpu.memory_space<hbm>> -> memref<64xf32, #tpu.memory_space<hbm>>
        tpu.enqueue_dma source(%dma_start3A_93 : memref<64xf32, #tpu.memory_space<hbm>>) target(%dma_start3A_90 : memref<64xf32, #tpu.memory_space<hbm>>) target_semaphore(%arg6 : memref<!tpu.dma_semaphore, #tpu.memory_space<semaphore_mem>>)
        %slice3A_94 = vector.extract_strided_slice %get3A_18 {offsets = [6], sizes = [1], strides = [1]} : vector<16xi32> to vector<1xi32>
        %squeeze3A_95 = vector.extract %slice3A_94[0] : i32 from vector<1xi32>
        %mul3A_96 = arith.constant 16 : i32
        %mul3A_97 = arith.muli %scan3A_8, %mul3A_96 : i32
        %add3A_98 = arith.addi %mul3A_2, %mul3A_97 : i32
        %add3A_99 = arith.constant 6 : i32
        %add3A_100 = arith.addi %add3A_98, %add3A_99 : i32
        %dma_start3A_101 = arith.constant 0 : i32
        %dma_start3A_102 = tpu.memref_slice %arg4[%add3A_100, %dma_start3A_101] : memref<16384x64xf32, #tpu.memory_space<hbm>> -> memref<1x64xf32, #tpu.memory_space<hbm>>
        %dma_start3A_103 = tpu.memref_squeeze %dma_start3A_102 : memref<1x64xf32, #tpu.memory_space<hbm>> -> memref<64xf32, #tpu.memory_space<hbm>>
        %dma_start3A_104 = arith.constant 0 : i32
        %dma_start3A_105 = tpu.memref_slice %arg3[%squeeze3A_95, %dma_start3A_104] : memref<1000000x64xf32, #tpu.memory_space<hbm>> -> memref<1x64xf32, #tpu.memory_space<hbm>>
        %dma_start3A_106 = tpu.memref_squeeze %dma_start3A_105 : memref<1x64xf32, #tpu.memory_space<hbm>> -> memref<64xf32, #tpu.memory_space<hbm>>
        tpu.enqueue_dma source(%dma_start3A_106 : memref<64xf32, #tpu.memory_space<hbm>>) target(%dma_start3A_103 : memref<64xf32, #tpu.memory_space<hbm>>) target_semaphore(%arg6 : memref<!tpu.dma_semaphore, #tpu.memory_space<semaphore_mem>>)
        %slice3A_107 = vector.extract_strided_slice %get3A_18 {offsets = [7], sizes = [1], strides = [1]} : vector<16xi32> to vector<1xi32>
        %squeeze3A_108 = vector.extract %slice3A_107[0] : i32 from vector<1xi32>
        %mul3A_109 = arith.constant 16 : i32
        %mul3A_110 = arith.muli %scan3A_8, %mul3A_109 : i32
        %add3A_111 = arith.addi %mul3A_2, %mul3A_110 : i32
        %add3A_112 = arith.constant 7 : i32
        %add3A_113 = arith.addi %add3A_111, %add3A_112 : i32
        %dma_start3A_114 = arith.constant 0 : i32
        %dma_start3A_115 = tpu.memref_slice %arg4[%add3A_113, %dma_start3A_114] : memref<16384x64xf32, #tpu.memory_space<hbm>> -> memref<1x64xf32, #tpu.memory_space<hbm>>
        %dma_start3A_116 = tpu.memref_squeeze %dma_start3A_115 : memref<1x64xf32, #tpu.memory_space<hbm>> -> memref<64xf32, #tpu.memory_space<hbm>>
        %dma_start3A_117 = arith.constant 0 : i32
        %dma_start3A_118 = tpu.memref_slice %arg3[%squeeze3A_108, %dma_start3A_117] : memref<1000000x64xf32, #tpu.memory_space<hbm>> -> memref<1x64xf32, #tpu.memory_space<hbm>>
        %dma_start3A_119 = tpu.memref_squeeze %dma_start3A_118 : memref<1x64xf32, #tpu.memory_space<hbm>> -> memref<64xf32, #tpu.memory_space<hbm>>
        tpu.enqueue_dma source(%dma_start3A_119 : memref<64xf32, #tpu.memory_space<hbm>>) target(%dma_start3A_116 : memref<64xf32, #tpu.memory_space<hbm>>) target_semaphore(%arg6 : memref<!tpu.dma_semaphore, #tpu.memory_space<semaphore_mem>>)
        %slice3A_120 = vector.extract_strided_slice %get3A_18 {offsets = [8], sizes = [1], strides = [1]} : vector<16xi32> to vector<1xi32>
        %squeeze3A_121 = vector.extract %slice3A_120[0] : i32 from vector<1xi32>
        %mul3A_122 = arith.constant 16 : i32
        %mul3A_123 = arith.muli %scan3A_8, %mul3A_122 : i32
        %add3A_124 = arith.addi %mul3A_2, %mul3A_123 : i32
        %add3A_125 = arith.constant 8 : i32
        %add3A_126 = arith.addi %add3A_124, %add3A_125 : i32
        %dma_start3A_127 = arith.constant 0 : i32
        %dma_start3A_128 = tpu.memref_slice %arg4[%add3A_126, %dma_start3A_127] : memref<16384x64xf32, #tpu.memory_space<hbm>> -> memref<1x64xf32, #tpu.memory_space<hbm>>
        %dma_start3A_129 = tpu.memref_squeeze %dma_start3A_128 : memref<1x64xf32, #tpu.memory_space<hbm>> -> memref<64xf32, #tpu.memory_space<hbm>>
        %dma_start3A_130 = arith.constant 0 : i32
        %dma_start3A_131 = tpu.memref_slice %arg3[%squeeze3A_121, %dma_start3A_130] : memref<1000000x64xf32, #tpu.memory_space<hbm>> -> memref<1x64xf32, #tpu.memory_space<hbm>>
        %dma_start3A_132 = tpu.memref_squeeze %dma_start3A_131 : memref<1x64xf32, #tpu.memory_space<hbm>> -> memref<64xf32, #tpu.memory_space<hbm>>
        tpu.enqueue_dma source(%dma_start3A_132 : memref<64xf32, #tpu.memory_space<hbm>>) target(%dma_start3A_129 : memref<64xf32, #tpu.memory_space<hbm>>) target_semaphore(%arg6 : memref<!tpu.dma_semaphore, #tpu.memory_space<semaphore_mem>>)
        %slice3A_133 = vector.extract_strided_slice %get3A_18 {offsets = [9], sizes = [1], strides = [1]} : vector<16xi32> to vector<1xi32>
        %squeeze3A_134 = vector.extract %slice3A_133[0] : i32 from vector<1xi32>
        %mul3A_135 = arith.constant 16 : i32
        %mul3A_136 = arith.muli %scan3A_8, %mul3A_135 : i32
        %add3A_137 = arith.addi %mul3A_2, %mul3A_136 : i32
        %add3A_138 = arith.constant 9 : i32
        %add3A_139 = arith.addi %add3A_137, %add3A_138 : i32
        %dma_start3A_140 = arith.constant 0 : i32
        %dma_start3A_141 = tpu.memref_slice %arg4[%add3A_139, %dma_start3A_140] : memref<16384x64xf32, #tpu.memory_space<hbm>> -> memref<1x64xf32, #tpu.memory_space<hbm>>
        %dma_start3A_142 = tpu.memref_squeeze %dma_start3A_141 : memref<1x64xf32, #tpu.memory_space<hbm>> -> memref<64xf32, #tpu.memory_space<hbm>>
        %dma_start3A_143 = arith.constant 0 : i32
        %dma_start3A_144 = tpu.memref_slice %arg3[%squeeze3A_134, %dma_start3A_143] : memref<1000000x64xf32, #tpu.memory_space<hbm>> -> memref<1x64xf32, #tpu.memory_space<hbm>>
        %dma_start3A_145 = tpu.memref_squeeze %dma_start3A_144 : memref<1x64xf32, #tpu.memory_space<hbm>> -> memref<64xf32, #tpu.memory_space<hbm>>
        tpu.enqueue_dma source(%dma_start3A_145 : memref<64xf32, #tpu.memory_space<hbm>>) target(%dma_start3A_142 : memref<64xf32, #tpu.memory_space<hbm>>) target_semaphore(%arg6 : memref<!tpu.dma_semaphore, #tpu.memory_space<semaphore_mem>>)
        %slice3A_146 = vector.extract_strided_slice %get3A_18 {offsets = [10], sizes = [1], strides = [1]} : vector<16xi32> to vector<1xi32>
        %squeeze3A_147 = vector.extract %slice3A_146[0] : i32 from vector<1xi32>
        %mul3A_148 = arith.constant 16 : i32
        %mul3A_149 = arith.muli %scan3A_8, %mul3A_148 : i32
        %add3A_150 = arith.addi %mul3A_2, %mul3A_149 : i32
        %add3A_151 = arith.constant 10 : i32
        %add3A_152 = arith.addi %add3A_150, %add3A_151 : i32
        %dma_start3A_153 = arith.constant 0 : i32
        %dma_start3A_154 = tpu.memref_slice %arg4[%add3A_152, %dma_start3A_153] : memref<16384x64xf32, #tpu.memory_space<hbm>> -> memref<1x64xf32, #tpu.memory_space<hbm>>
        %dma_start3A_155 = tpu.memref_squeeze %dma_start3A_154 : memref<1x64xf32, #tpu.memory_space<hbm>> -> memref<64xf32, #tpu.memory_space<hbm>>
        %dma_start3A_156 = arith.constant 0 : i32
        %dma_start3A_157 = tpu.memref_slice %arg3[%squeeze3A_147, %dma_start3A_156] : memref<1000000x64xf32, #tpu.memory_space<hbm>> -> memref<1x64xf32, #tpu.memory_space<hbm>>
        %dma_start3A_158 = tpu.memref_squeeze %dma_start3A_157 : memref<1x64xf32, #tpu.memory_space<hbm>> -> memref<64xf32, #tpu.memory_space<hbm>>
        tpu.enqueue_dma source(%dma_start3A_158 : memref<64xf32, #tpu.memory_space<hbm>>) target(%dma_start3A_155 : memref<64xf32, #tpu.memory_space<hbm>>) target_semaphore(%arg6 : memref<!tpu.dma_semaphore, #tpu.memory_space<semaphore_mem>>)
        %slice3A_159 = vector.extract_strided_slice %get3A_18 {offsets = [11], sizes = [1], strides = [1]} : vector<16xi32> to vector<1xi32>
        %squeeze3A_160 = vector.extract %slice3A_159[0] : i32 from vector<1xi32>
        %mul3A_161 = arith.constant 16 : i32
        %mul3A_162 = arith.muli %scan3A_8, %mul3A_161 : i32
        %add3A_163 = arith.addi %mul3A_2, %mul3A_162 : i32
        %add3A_164 = arith.constant 11 : i32
        %add3A_165 = arith.addi %add3A_163, %add3A_164 : i32
        %dma_start3A_166 = arith.constant 0 : i32
        %dma_start3A_167 = tpu.memref_slice %arg4[%add3A_165, %dma_start3A_166] : memref<16384x64xf32, #tpu.memory_space<hbm>> -> memref<1x64xf32, #tpu.memory_space<hbm>>
        %dma_start3A_168 = tpu.memref_squeeze %dma_start3A_167 : memref<1x64xf32, #tpu.memory_space<hbm>> -> memref<64xf32, #tpu.memory_space<hbm>>
        %dma_start3A_169 = arith.constant 0 : i32
        %dma_start3A_170 = tpu.memref_slice %arg3[%squeeze3A_160, %dma_start3A_169] : memref<1000000x64xf32, #tpu.memory_space<hbm>> -> memref<1x64xf32, #tpu.memory_space<hbm>>
        %dma_start3A_171 = tpu.memref_squeeze %dma_start3A_170 : memref<1x64xf32, #tpu.memory_space<hbm>> -> memref<64xf32, #tpu.memory_space<hbm>>
        tpu.enqueue_dma source(%dma_start3A_171 : memref<64xf32, #tpu.memory_space<hbm>>) target(%dma_start3A_168 : memref<64xf32, #tpu.memory_space<hbm>>) target_semaphore(%arg6 : memref<!tpu.dma_semaphore, #tpu.memory_space<semaphore_mem>>)
        %slice3A_172 = vector.extract_strided_slice %get3A_18 {offsets = [12], sizes = [1], strides = [1]} : vector<16xi32> to vector<1xi32>
        %squeeze3A_173 = vector.extract %slice3A_172[0] : i32 from vector<1xi32>
        %mul3A_174 = arith.constant 16 : i32
        %mul3A_175 = arith.muli %scan3A_8, %mul3A_174 : i32
        %add3A_176 = arith.addi %mul3A_2, %mul3A_175 : i32
        %add3A_177 = arith.constant 12 : i32
        %add3A_178 = arith.addi %add3A_176, %add3A_177 : i32
        %dma_start3A_179 = arith.constant 0 : i32
        %dma_start3A_180 = tpu.memref_slice %arg4[%add3A_178, %dma_start3A_179] : memref<16384x64xf32, #tpu.memory_space<hbm>> -> memref<1x64xf32, #tpu.memory_space<hbm>>
        %dma_start3A_181 = tpu.memref_squeeze %dma_start3A_180 : memref<1x64xf32, #tpu.memory_space<hbm>> -> memref<64xf32, #tpu.memory_space<hbm>>
        %dma_start3A_182 = arith.constant 0 : i32
        %dma_start3A_183 = tpu.memref_slice %arg3[%squeeze3A_173, %dma_start3A_182] : memref<1000000x64xf32, #tpu.memory_space<hbm>> -> memref<1x64xf32, #tpu.memory_space<hbm>>
        %dma_start3A_184 = tpu.memref_squeeze %dma_start3A_183 : memref<1x64xf32, #tpu.memory_space<hbm>> -> memref<64xf32, #tpu.memory_space<hbm>>
        tpu.enqueue_dma source(%dma_start3A_184 : memref<64xf32, #tpu.memory_space<hbm>>) target(%dma_start3A_181 : memref<64xf32, #tpu.memory_space<hbm>>) target_semaphore(%arg6 : memref<!tpu.dma_semaphore, #tpu.memory_space<semaphore_mem>>)
        %slice3A_185 = vector.extract_strided_slice %get3A_18 {offsets = [13], sizes = [1], strides = [1]} : vector<16xi32> to vector<1xi32>
        %squeeze3A_186 = vector.extract %slice3A_185[0] : i32 from vector<1xi32>
        %mul3A_187 = arith.constant 16 : i32
        %mul3A_188 = arith.muli %scan3A_8, %mul3A_187 : i32
        %add3A_189 = arith.addi %mul3A_2, %mul3A_188 : i32
        %add3A_190 = arith.constant 13 : i32
        %add3A_191 = arith.addi %add3A_189, %add3A_190 : i32
        %dma_start3A_192 = arith.constant 0 : i32
        %dma_start3A_193 = tpu.memref_slice %arg4[%add3A_191, %dma_start3A_192] : memref<16384x64xf32, #tpu.memory_space<hbm>> -> memref<1x64xf32, #tpu.memory_space<hbm>>
        %dma_start3A_194 = tpu.memref_squeeze %dma_start3A_193 : memref<1x64xf32, #tpu.memory_space<hbm>> -> memref<64xf32, #tpu.memory_space<hbm>>
        %dma_start3A_195 = arith.constant 0 : i32
        %dma_start3A_196 = tpu.memref_slice %arg3[%squeeze3A_186, %dma_start3A_195] : memref<1000000x64xf32, #tpu.memory_space<hbm>> -> memref<1x64xf32, #tpu.memory_space<hbm>>
        %dma_start3A_197 = tpu.memref_squeeze %dma_start3A_196 : memref<1x64xf32, #tpu.memory_space<hbm>> -> memref<64xf32, #tpu.memory_space<hbm>>
        tpu.enqueue_dma source(%dma_start3A_197 : memref<64xf32, #tpu.memory_space<hbm>>) target(%dma_start3A_194 : memref<64xf32, #tpu.memory_space<hbm>>) target_semaphore(%arg6 : memref<!tpu.dma_semaphore, #tpu.memory_space<semaphore_mem>>)
        %slice3A_198 = vector.extract_strided_slice %get3A_18 {offsets = [14], sizes = [1], strides = [1]} : vector<16xi32> to vector<1xi32>
        %squeeze3A_199 = vector.extract %slice3A_198[0] : i32 from vector<1xi32>
        %mul3A_200 = arith.constant 16 : i32
        %mul3A_201 = arith.muli %scan3A_8, %mul3A_200 : i32
        %add3A_202 = arith.addi %mul3A_2, %mul3A_201 : i32
        %add3A_203 = arith.constant 14 : i32
        %add3A_204 = arith.addi %add3A_202, %add3A_203 : i32
        %dma_start3A_205 = arith.constant 0 : i32
        %dma_start3A_206 = tpu.memref_slice %arg4[%add3A_204, %dma_start3A_205] : memref<16384x64xf32, #tpu.memory_space<hbm>> -> memref<1x64xf32, #tpu.memory_space<hbm>>
        %dma_start3A_207 = tpu.memref_squeeze %dma_start3A_206 : memref<1x64xf32, #tpu.memory_space<hbm>> -> memref<64xf32, #tpu.memory_space<hbm>>
        %dma_start3A_208 = arith.constant 0 : i32
        %dma_start3A_209 = tpu.memref_slice %arg3[%squeeze3A_199, %dma_start3A_208] : memref<1000000x64xf32, #tpu.memory_space<hbm>> -> memref<1x64xf32, #tpu.memory_space<hbm>>
        %dma_start3A_210 = tpu.memref_squeeze %dma_start3A_209 : memref<1x64xf32, #tpu.memory_space<hbm>> -> memref<64xf32, #tpu.memory_space<hbm>>
        tpu.enqueue_dma source(%dma_start3A_210 : memref<64xf32, #tpu.memory_space<hbm>>) target(%dma_start3A_207 : memref<64xf32, #tpu.memory_space<hbm>>) target_semaphore(%arg6 : memref<!tpu.dma_semaphore, #tpu.memory_space<semaphore_mem>>)
        %slice3A_211 = vector.extract_strided_slice %get3A_18 {offsets = [15], sizes = [1], strides = [1]} : vector<16xi32> to vector<1xi32>
        %squeeze3A_212 = vector.extract %slice3A_211[0] : i32 from vector<1xi32>
        %mul3A_213 = arith.constant 16 : i32
        %mul3A_214 = arith.muli %scan3A_8, %mul3A_213 : i32
        %add3A_215 = arith.addi %mul3A_2, %mul3A_214 : i32
        %add3A_216 = arith.constant 15 : i32
        %add3A_217 = arith.addi %add3A_215, %add3A_216 : i32
        %dma_start3A_218 = arith.constant 0 : i32
        %dma_start3A_219 = tpu.memref_slice %arg4[%add3A_217, %dma_start3A_218] : memref<16384x64xf32, #tpu.memory_space<hbm>> -> memref<1x64xf32, #tpu.memory_space<hbm>>
        %dma_start3A_220 = tpu.memref_squeeze %dma_start3A_219 : memref<1x64xf32, #tpu.memory_space<hbm>> -> memref<64xf32, #tpu.memory_space<hbm>>
        %dma_start3A_221 = arith.constant 0 : i32
        %dma_start3A_222 = tpu.memref_slice %arg3[%squeeze3A_212, %dma_start3A_221] : memref<1000000x64xf32, #tpu.memory_space<hbm>> -> memref<1x64xf32, #tpu.memory_space<hbm>>
        %dma_start3A_223 = tpu.memref_squeeze %dma_start3A_222 : memref<1x64xf32, #tpu.memory_space<hbm>> -> memref<64xf32, #tpu.memory_space<hbm>>
        tpu.enqueue_dma source(%dma_start3A_223 : memref<64xf32, #tpu.memory_space<hbm>>) target(%dma_start3A_220 : memref<64xf32, #tpu.memory_space<hbm>>) target_semaphore(%arg6 : memref<!tpu.dma_semaphore, #tpu.memory_space<semaphore_mem>>)
      } else {
      }
      %gt3A = arith.constant 0 : i32
      %gt3A_11 = arith.cmpi sgt, %scan3A_8, %gt3A : i32
      %convert_element_type3A_12 = arith.extui %gt3A_11 : i1 to i32
      %cond3A_13 = arith.constant 0 : i32
      %cond3A_14 = arith.cmpi ne, %convert_element_type3A_12, %cond3A_13 : i32
      scf.if %cond3A_14 {
        %dma_wait3A = arith.constant 0 : i32
        %dma_wait3A_15 = tpu.memref_slice %arg4[%mul3A_2, %dma_wait3A] : memref<16384x64xf32, #tpu.memory_space<hbm>> -> memref<16x64xf32, #tpu.memory_space<hbm>>
        %dma_wait3A_16 = arith.constant 0 : i32
        %dma_wait3A_17 = arith.constant 0 : i32
        %dma_wait3A_18 = tpu.memref_slice %arg3[%dma_wait3A_16, %dma_wait3A_17] : memref<1000000x64xf32, #tpu.memory_space<hbm>> -> memref<16x64xf32, #tpu.memory_space<hbm>>
        tpu.wait_dma2 semaphore(%arg6 : memref<!tpu.dma_semaphore, #tpu.memory_space<semaphore_mem>>) src(%dma_wait3A_18 : memref<16x64xf32, #tpu.memory_space<hbm>>) dst(%dma_wait3A_15 : memref<16x64xf32, #tpu.memory_space<hbm>>)
      } else {
      }
    }
    %scan3A_7 = arith.constant 33 : i32
    return
  }
}

</mosaic_0001>

<sc_bundles>
// kernel: kernel.3.cloned.1.call-start
scs
__scs_entry_jumppad:
0x0: {  	(pc) =	sbr.rel $0x88, $3  }
0x1: {  	(tag) =	ssettag $0x0;
	lr =	simm.s32 $0x1  }
0x2: {  	[smem:$0x3F9F] =	sst lr;
	_ =	strace $0xD0000000  }
0x3: {  	_ = 	snop  }
0x4: {  	_ = 	snop  }
0x5: {  	_ = 	snop  }
0x6: {  	_ = 	snop  }
0x7: {  	_ = 	snop  }
__scs_overlays_trampoline_lowered:
0x8: {  	[smem:$0x3FAE] =	sst s0  }
0x9: {  	[smem:$0x3FAF] =	sst s1  }
0xa: {  	[smem:$0x3FB0] =	sst s2  }
0xb: {  	[smem:$0x3FB1] =	sst s3  }
0xc: {  	[smem:$0x3FB2] =	sst s4  }
0xd: {  	[smem:$0x3FB3] =	sst s5  }
0xe: {  	[smem:$0x3FB4] =	sst s6  }
0xf: {  	[smem:$0x3FB5] =	sst s7  }
0x10: {  	[smem:$0x3FB6] =	sst s8  }
0x11: {  	[smem:$0x3FB7] =	sst s9;
	s0 =	simm.s32 @!p0 $0x0  }
0x12: {  	s1 =	sld [smem:$0x3F9D];
	s0 =	simm.s32 @p0 $0x1  }
0x13: {  	[smem:$0x3FB8] =	sst s0;
	s0 =	simm.s32 @!p1 $0x0  }
0x14: {  	s2 =	sld [smem:$0x3F9C];
	s0 =	simm.s32 @p1 $0x1  }
0x15: {  	[smem:$0x3FB9] =	sst s0;
	s0 =	simm.s32 @!p2 $0x0  }
0x16: {  	s3 =	sld [smem:$0x3FDB];
	s0 =	simm.s32 @p2 $0x1  }
0x17: {  	s4 =	simm.s32 $0x1BF5;
	[smem:$0x3FBB] =	sst s0  }
0x18: {  	s0 =	sld [smem:$0x3F9E];
	_ =	swait.ge [sflag:s4], $0x0  }
0x19: {  	s7 =	sld [smem:$0x3F9F]  }
0x1a: {  	s8 =	sadd.s32 $0xFFFFE003, lr  }
0x1b: {  	s9 =	sadd.s32 $0xFFFFFEF7, lr;
	s5 =	simm.s32 $0xFFFFFFFF;
	p2 =	slt.u32 s8, $0xFFFFF086  }
0x1c: {  	p1 =	slt.u32 s9, $0xF7A;
	s5 =	simm.s32 @!p2 $0x0  }
0x1d: {  	s5 =	simm.s32 @p1 $0x1;
	p0 =	seq.s32 s7, s2  }
0x1e: {  	s7 =	smul.u32 @!p0 $0xF7A, s2;
	p2 =	seq.s32 @!p0 s5, $0x0  }
0x1f: {  	s9 =	smul.u32 $0xF7A, s1;
	s8 =	simm.s32 @!p0 $0x1BF5;
	p2 =	por !p2, p0  }
0x20: {  	[sflag:s8] =	ssyncset.s32 @!p0 $0xFFFFF086;
	s6 =	sadd.s32 @!p0 s3, s7;
	s7 =	simm.s32 @!p0 $0x108  }
0x21: {  	s3 =	sadd.s32 s3, s9;
	s6 =	sadd.s32 @!p0 $0x88, s6;
	s7 =	simm.s32 @p2 $0x1082  }
0x22: {  	[simem:s7], [sflag:s8] =	dma.local @!p0 [hbm:s6], $0xF7A  }
0x23: {  	s9 =	sor.u32 $0xD0000000, s2;
	s6 =	simm.s32 $0x108;
	_ =	swait.ge @!p0 [sflag:s8], $0x0  }
0x24: {  	s3 =	sadd.s32 $0x88, s3;
	s6 =	simm.s32 @!p1 $0x1082;
	[sflag:s4] =	ssyncset.s32 $0xFFFFF086  }
0x25: {  	[simem:s6], [sflag:s4] =	dma.local [hbm:s3], $0xF7A  }
0x26: {  	[smem:$0x3F9F] =	sst s1;
	(tag) =	ssettag s2;
	_ =	strace s9  }
0x27: {  	s1 =	sld [smem:$0x3FAF]  }
0x28: {  	s2 =	sld [smem:$0x3FB0]  }
0x29: {  	s4 =	sld [smem:$0x3FB2]  }
0x2a: {  	p0 =	seq.s32 s5, $0x0;
	s5 =	sld [smem:$0x3FB3]  }
0x2b: {  	s6 =	sld [smem:$0x3FB4]  }
0x2c: {  	s7 =	sld [smem:$0x3FB5]  }
0x2d: {  	s3 =	simm.s32 $0x108;
	s8 =	sld [smem:$0x3FB6]  }
0x2e: {  	s3 =	simm.s32 @!p0 $0x1082;
	s9 =	sld [smem:$0x3FB7]  }
0x2f: {  	lr =	sadd.s32 s0, s3;
	s0 =	sld [smem:$0x3FAE]  }
0x30: {  	s3 =	sld [smem:$0x3FB1]  }
0x31: {  	[smem:$0x3FBA] =	sst s10  }
0x32: {  	s10 =	sld [smem:$0x3FB8];
	_ =	sdelay $0x3  }
0x33: {  	p0 =	seq.s32 s10, $0x1;
	s10 =	sld [smem:$0x3FBA];
	_ =	sdelay $0x3  }
0x34: {  	[smem:$0x3FBA] =	sst s10  }
0x35: {  	s10 =	sld [smem:$0x3FB9];
	_ =	sdelay $0x3  }
0x36: {  	p1 =	seq.s32 s10, $0x1;
	s10 =	sld [smem:$0x3FBA];
	_ =	sdelay $0x3  }
0x37: {  	[smem:$0x3FBA] =	sst s10  }
0x38: {  	s10 =	sld [smem:$0x3FBB]  }
0x39: {  	_ = 	snop;
	(pc) =	sbr.ind lr, $3  }
0x3a: {  	_ = 	snop  }
0x3b: {  	_ = 	snop  }
0x3c: {  	p2 =	seq.s32 s10, $0x1;
	s10 =	sld [smem:$0x3FBA]  }
0x3d: {  	_ =	shalt  }
0x3e: {  	_ =	shalt  }
0x3f: {  	_ =	shalt  }
0x40: {  	_ =	shalt  }
0x41: {  	_ =	shalt  }
0x42: {  	_ =	shalt  }
0x43: {  	_ =	shalt  }
0x44: {  	_ =	shalt  }
0x45: {  	_ =	shalt  }
0x46: {  	_ =	shalt  }
0x47: {  	_ =	shalt  }
0x48: {  	_ =	shalt  }
0x49: {  	_ =	shalt  }
0x4a: {  	_ =	shalt  }
0x4b: {  	_ =	shalt  }
0x4c: {  	_ =	shalt  }
0x4d: {  	_ =	shalt  }
0x4e: {  	_ =	shalt  }
0x4f: {  	_ =	shalt  }
0x50: {  	_ =	shalt  }
0x51: {  	_ =	shalt  }
0x52: {  	_ =	shalt  }
0x53: {  	_ =	shalt  }
0x54: {  	_ =	shalt  }
0x55: {  	_ =	shalt  }
0x56: {  	_ =	shalt  }
0x57: {  	_ =	shalt  }
0x58: {  	_ =	shalt  }
0x59: {  	_ =	shalt  }
0x5a: {  	_ =	shalt  }
0x5b: {  	_ =	shalt  }
0x5c: {  	_ =	shalt  }
0x5d: {  	_ =	shalt  }
0x5e: {  	_ =	shalt  }
0x5f: {  	_ =	shalt  }
0x60: {  	_ =	shalt  }
0x61: {  	_ =	shalt  }
0x62: {  	_ =	shalt  }
0x63: {  	_ =	shalt  }
0x64: {  	_ =	shalt  }
0x65: {  	_ =	shalt  }
0x66: {  	_ =	shalt  }
0x67: {  	_ =	shalt  }
0x68: {  	_ =	shalt  }
0x69: {  	_ =	shalt  }
0x6a: {  	_ =	shalt  }
0x6b: {  	_ =	shalt  }
0x6c: {  	_ =	shalt  }
0x6d: {  	_ =	shalt  }
0x6e: {  	_ =	shalt  }
0x6f: {  	_ =	shalt  }
0x70: {  	_ =	shalt  }
0x71: {  	_ =	shalt  }
0x72: {  	_ =	shalt  }
0x73: {  	_ =	shalt  }
0x74: {  	_ =	shalt  }
0x75: {  	_ =	shalt  }
0x76: {  	_ =	shalt  }
0x77: {  	_ =	shalt  }
0x78: {  	_ =	shalt  }
0x79: {  	_ =	shalt  }
0x7a: {  	_ =	shalt  }
0x7b: {  	_ =	shalt  }
0x7c: {  	_ =	shalt  }
0x7d: {  	_ =	shalt  }
0x7e: {  	_ =	shalt  }
0x7f: {  	_ =	shalt  }
0x80: {  	_ =	shalt  }
0x81: {  	_ =	shalt  }
0x82: {  	_ =	shalt  }
0x83: {  	_ =	shalt  }
0x84: {  	_ =	shalt  }
0x85: {  	_ =	shalt  }
0x86: {  	_ =	shalt  }
0x87: {  	_ =	shalt  }
.Lfunc_end0:
.L_simem_size_0:
called_computation_lowered:
.L_overlay_start_0:
0x88: {  	s2 =	sld [smem:$0x3FD9]  }
0x89: {  	s3 =	sld [smem:$0x3FFE];
	_ =	sdelay $0x1  }
0x8a: {  	s1 =	srdreg.scid  }
0x8b: {  	s0 =	sand.u32 $0x1, s1  }
0x8c: {  	s17 =	sshll.u32 s0, $0xA;
	s2 =	sadd.s32 s3, s2  }
0x8d: {  	s2 =	sadd.s32 s2, s17  }
0x8e: {  	[smem:$0x3FC6] =	sst s2  }
0x8f: {  	_ = 	snop  }
0x90: {  	s2 =	sld [smem:$0x3FD0];
	(tm) =	ssettm $0x1  }
0x91: {  	s18 =	sld [smem:$0x3FFB];
	_ =	sdelay $0x3  }
0x92: {  	_ =	strace s18  }
0x93: {  	s3 =	sld [smem:$0x3FFC];
	_ =	sdelay $0x3  }
0x94: {  	_ =	strace s3  }
0x95: {  	s3 =	sld [smem:$0x3FFD];
	_ =	sdelay $0x3  }
0x96: {  	_ =	strace s3  }
0x97: {  	_ =	strace $0x8FFFFFFF  }
0x98: {  	s19 =	sld [smem:$0x3FDB];
	_ =	sdelay $0x1  }
0x99: {  	s4 =	simm.s32 $_scs_section_size  }
0x9a: {  	s5 =	simm.s32 $_size__tile_overlayer_lowered;
	s6 =	simm.s32 $_tile_overlayer_lowered  }
0x9b: {  	s22 =	simm.s32 $0x1BFF;
	s21 =	sshll.u32 s6, $0x1;
	s3 =	sadd.s32 s4, s19  }
0x9c: {  	s7 =	simm.s32 $0x0;
	s20 =	sshll.u32 s5, $0x1;
	s5 =	sadd.s32 s21, s3  }
0x9d: {  	[timem:s7], [sflag:s22] =	dma.local [hbm:s5], s20  }
0x9e: {  	_ =	swait.ge [sflag:s22], s20  }
0x9f: {  	s4 =	ssub.s32 $0x0, s20;
	[sflag:s22] =	ssyncset.done $0x0  }
0xa0: {  	[sflag:s22] =	ssyncadd.s32 s4;
	_ =	sdelay $0x1  }
0xa1: {  	s23 =	simm.s32 $0x1B8B  }
0xa2: {  	_ =	swait.ge [sflag:s23], $0x1  }
0xa3: {  	[sflag:s23] =	ssyncset.done $0x0  }
0xa4: {  	s25 =	simm.s32 $0x1B8E;
	s24 =	sld [smem:$0x3FFE];
	[sflag:s23] =	ssyncadd.s32 $0xFFFFFFFF  }
0xa5: {  	s26 =	simm.s32 $execute0_lowered;
	[smem:$0x3FD2] =	sst s25  }
0xa6: {  	s5 =	sshll.u32 s26, $0x1;
	_ =	strace $0x80000046;
	[dreg:$0x1] =	wrdreg $0xFFFFFFFF  }
0xa7: {  	s28 =	simm.s32 $_size_execute0_lowered;
	s3 =	sadd.s32 s3, s5;
	[dreg:$0x0] =	wrdreg $0x0  }
0xa8: {  	s5 =	sshll.u32 s28, $0x1;
	[dreg:$0x2] =	wrdreg s3  }
0xa9: {  	[dreg:$0x3] =	wrdreg s5  }
0xaa: {  	[dreg:$0x4] =	wrdreg $0xC0  }
0xab: {  	_ =	task [dreg:s7], $0x5FFFF  }
0xac: {  	[dreg:$0x1] =	wrdreg $0xFFFFFFFF  }
0xad: {  	[dreg:$0x0] =	wrdreg $0x60  }
0xae: {  	[dreg:$0x2] =	wrdreg s2  }
0xaf: {  	[dreg:$0x3] =	wrdreg s24  }
0xb0: {  	[dreg:$0x4] =	wrdreg $0x9  }
0xb1: {  	_ =	task.clear_ibuf [dreg:s7], $0x5FFFF;
	_ =	strace $0x90000046  }
0xb2: {  	s29 =	simm.s32 $0x9;
	_ =	strace $0x80000048  }
0xb3: {  	_ =	swait.ge [sflag:s29], $0x1  }
0xb4: {  	[sflag:s29] =	ssyncadd.s32 $0xFFFFFFFF  }
0xb5: {  	_ =	strace $0x90000048  }
0xb6: {  	_ =	sfence  }
0xb7: {  	s30 =	sld [smem:$0x0];
	_ =	sdelay $0x2  }
0xb8: {  	s31 =	sshll.u32 s1, $0xD;
	s1 =	sshrl.u32 s1, $0x2  }
0xb9: {  	s3 =	sand.u32 $0x4000, s31;
	s1 =	sadd.s32 s1, s30  }
0xba: {  	s0 =	sor.u32 s3, s0;
	s1 =	sshll.u32 s1, $0x11  }
0xbb: {  	s0 =	sor.u32 s1, s0  }
0xbc: {  	s0 =	sadd.s32 $0x8F2B, s0  }
0xbd: {  	[sflag:s0] =	ssyncadd.remote.s32 $0x1  }
0xbe: {  	_ =	sfence.sel $0xFFFF  }
0xbf: {  	[dreg:$0x0] =	wrdreg $0xFFFFFFFF;
	(pc) =	sbr.abs _section_cstart, $3  }
0xc0: {  	[dreg:$0x1] =	wrdreg $0xFFFFFFFF  }
0xc1: {  	_ =	task.clear_ibuf [dreg:s7], $0x2FFFF;
	_ =	strace $0x9FFFFFFF  }
0xc2: {  	(tm) =	ssettm $0x7FFFFFFF  }
0xc3: {  	_ =	shalt  }
tec
execute0_lowered:
.L_overlay_start_1:
0x0: {  	(tag) =	ssettag $0x1  }
0x1: {  	s4 =	rddreg [dreg:$0x0]  }
0x2: {  	s2 =	rddreg [dreg:$0x1]  }
0x3: {  	s0 =	rddreg [dreg:$0x2];
	s5 =	srdreg.scid  }
0x4: {  	s3 =	simm.s32 $0x0;
	s1 =	stileid.u32;
	s10 =	simm.s32 $0x1  }
0x5: {  	s11 =	simm.s32 $0x0;
	s5 =	sand.u32 $0x1, s5;
	[smem:$0x7FF] =	sst s3  }
0x6: {  	s6 =	sshll.u32 s1, $0x8;
	s8 =	sshll.u32 s1, $0xA;
	s28 =	sshll.u32 s1, $0xE  }
0x7: {  	s7 =	sshll.u32 s5, $0x7;
	_ =	strace $0x80000047;
	s9 =	ssub.s32 $0x2, s5  }
0x8: {  	s30 =	sshll.u32 s5, $0xD;
	s6 =	sor.u32 s7, s6;
	s29 =	sshrl.u32 s9, $0x1  }
0x9: {  	s7 =	sadd.s32 s28, s2;
	s6 =	sor.u32 s6, s8;
	s8 =	ssub.s32 s9, s29  }
0xa: {  	s31 =	sadd.s32 s30, s7;
	s7 =	simm.s32 $0x80;
	s6 =	sand.u32 $0x3380, s6  }
0xb: {  	s9 =	simm.s32 $0x2;
	s5 =	smax.u32 s8, $0x1;
	s6 =	sshrl.u32 s6, $0x3  }
0xc: {  	s8 =	simm.s32 $0x400;
	s4 =	sadd.s32 s4, s6;
	s6 =	sadd.s32 $0xF42400, s31  }
.LBB2_1:
0xd: {  	[tilespmem:s3], [sflag:$0x2] =	stream.strided.gather [hbm4b:s4+s7], $0x200, s8, s7, $0x38;
	[tilespmem:$0x200] =	vst v63  }
0xe: {  	_ =	swait.ge [sflag:s9], $0x200  }
0xf: {  	[sflag:s9] =	ssyncset.done $0x0  }
0x10: {  	s12 =	simm.s32 $0x0;
	s13 =	simm.s32 $0x0;
	[sflag:s9] =	ssyncadd.s32 $0xFFFFFE00  }
.LBB2_2:
0x11: {  	p0 =	seq.s32 s12, $0x2000  }
0x12: {  	v0 =	vld @!p0 [tilespmem:s13+$0x0];
	_ =	sdelay $0x4  }
0x13: {  	v0 =	vshll.u32 @!p0 v0, $0x4  }
0x14: {  	(v2sf) =	vpush @!p0 v0, $0x0;
	_ =	sdelay $0xe  }
0x15: {  	s14 =	spop @!p0 (v2sf)  }
0x16: {  	s16 =	sshll.u32 @!p0 s1, $0x6;
	s15 =	sand.u32 @!p0 $0x1FFFFFF0, s14  }
0x17: {  	s14 =	sadd.s32 @!p0 s12, s6;
	s17 =	sadd.s32 @!p0 s2, s15;
	s15 =	sor.u32 @!p0 $0x1C01, s16  }
0x18: {  	[hbm:s14], [sflag:s15] =	dma.local @!p0 [hbm:s17], $0x10  }
0x19: {  	(v2sf) =	vpush @!p0 v0, $0x1;
	_ =	sdelay $0xe  }
0x1a: {  	s16 =	spop @!p0 (v2sf)  }
0x1b: {  	s16 =	sand.u32 @!p0 $0x1FFFFFF0, s16  }
0x1c: {  	s17 =	sadd.s32 @!p0 $0x10, s14;
	s16 =	sadd.s32 @!p0 s2, s16  }
0x1d: {  	[hbm:s17], [sflag:s15] =	dma.local @!p0 [hbm:s16], $0x10  }
0x1e: {  	(v2sf) =	vpush @!p0 v0, $0x2;
	_ =	sdelay $0xe  }
0x1f: {  	s16 =	spop @!p0 (v2sf)  }
0x20: {  	s16 =	sand.u32 @!p0 $0x1FFFFFF0, s16  }
0x21: {  	s17 =	sadd.s32 @!p0 $0x20, s14;
	s16 =	sadd.s32 @!p0 s2, s16  }
0x22: {  	[hbm:s17], [sflag:s15] =	dma.local @!p0 [hbm:s16], $0x10  }
0x23: {  	(v2sf) =	vpush @!p0 v0, $0x3;
	_ =	sdelay $0xe  }
0x24: {  	s16 =	spop @!p0 (v2sf)  }
0x25: {  	s16 =	sand.u32 @!p0 $0x1FFFFFF0, s16  }
0x26: {  	s17 =	sadd.s32 @!p0 $0x30, s14;
	s16 =	sadd.s32 @!p0 s2, s16  }
0x27: {  	[hbm:s17], [sflag:s15] =	dma.local @!p0 [hbm:s16], $0x10  }
0x28: {  	(v2sf) =	vpush @!p0 v0, $0x4;
	_ =	sdelay $0xe  }
0x29: {  	s16 =	spop @!p0 (v2sf)  }
0x2a: {  	s16 =	sand.u32 @!p0 $0x1FFFFFF0, s16  }
0x2b: {  	s17 =	sadd.s32 @!p0 $0x40, s14;
	s16 =	sadd.s32 @!p0 s2, s16  }
0x2c: {  	[hbm:s17], [sflag:s15] =	dma.local @!p0 [hbm:s16], $0x10  }
0x2d: {  	(v2sf) =	vpush @!p0 v0, $0x5;
	_ =	sdelay $0xe  }
0x2e: {  	s16 =	spop @!p0 (v2sf)  }
0x2f: {  	s16 =	sand.u32 @!p0 $0x1FFFFFF0, s16  }
0x30: {  	s17 =	sadd.s32 @!p0 $0x50, s14;
	s16 =	sadd.s32 @!p0 s2, s16  }
0x31: {  	[hbm:s17], [sflag:s15] =	dma.local @!p0 [hbm:s16], $0x10  }
0x32: {  	(v2sf) =	vpush @!p0 v0, $0x6;
	_ =	sdelay $0xe  }
0x33: {  	s16 =	spop @!p0 (v2sf)  }
0x34: {  	s16 =	sand.u32 @!p0 $0x1FFFFFF0, s16  }
0x35: {  	s17 =	sadd.s32 @!p0 $0x60, s14;
	s16 =	sadd.s32 @!p0 s2, s16  }
0x36: {  	[hbm:s17], [sflag:s15] =	dma.local @!p0 [hbm:s16], $0x10  }
0x37: {  	(v2sf) =	vpush @!p0 v0, $0x7;
	_ =	sdelay $0xe  }
0x38: {  	s16 =	spop @!p0 (v2sf)  }
0x39: {  	s16 =	sand.u32 @!p0 $0x1FFFFFF0, s16  }
0x3a: {  	s17 =	sadd.s32 @!p0 $0x70, s14;
	s16 =	sadd.s32 @!p0 s2, s16  }
0x3b: {  	[hbm:s17], [sflag:s15] =	dma.local @!p0 [hbm:s16], $0x10  }
0x3c: {  	(v2sf) =	vpush @!p0 v0, $0x8;
	_ =	sdelay $0xe  }
0x3d: {  	s16 =	spop @!p0 (v2sf)  }
0x3e: {  	s16 =	sand.u32 @!p0 $0x1FFFFFF0, s16  }
0x3f: {  	s17 =	sadd.s32 @!p0 $0x80, s14;
	s16 =	sadd.s32 @!p0 s2, s16  }
0x40: {  	[hbm:s17], [sflag:s15] =	dma.local @!p0 [hbm:s16], $0x10  }
0x41: {  	(v2sf) =	vpush @!p0 v0, $0x9;
	_ =	sdelay $0xe  }
0x42: {  	s16 =	spop @!p0 (v2sf)  }
0x43: {  	s16 =	sand.u32 @!p0 $0x1FFFFFF0, s16  }
0x44: {  	s17 =	sadd.s32 @!p0 $0x90, s14;
	s16 =	sadd.s32 @!p0 s2, s16  }
0x45: {  	[hbm:s17], [sflag:s15] =	dma.local @!p0 [hbm:s16], $0x10  }
0x46: {  	(v2sf) =	vpush @!p0 v0, $0xA;
	_ =	sdelay $0xe  }
0x47: {  	s16 =	spop @!p0 (v2sf)  }
0x48: {  	s16 =	sand.u32 @!p0 $0x1FFFFFF0, s16  }
0x49: {  	s17 =	sadd.s32 @!p0 $0xA0, s14;
	s16 =	sadd.s32 @!p0 s2, s16  }
0x4a: {  	[hbm:s17], [sflag:s15] =	dma.local @!p0 [hbm:s16], $0x10  }
0x4b: {  	(v2sf) =	vpush @!p0 v0, $0xB;
	_ =	sdelay $0xe  }
0x4c: {  	s16 =	spop @!p0 (v2sf)  }
0x4d: {  	s16 =	sand.u32 @!p0 $0x1FFFFFF0, s16  }
0x4e: {  	s17 =	sadd.s32 @!p0 $0xB0, s14;
	s16 =	sadd.s32 @!p0 s2, s16  }
0x4f: {  	[hbm:s17], [sflag:s15] =	dma.local @!p0 [hbm:s16], $0x10  }
0x50: {  	(v2sf) =	vpush @!p0 v0, $0xC;
	_ =	sdelay $0xe  }
0x51: {  	s16 =	spop @!p0 (v2sf)  }
0x52: {  	s16 =	sand.u32 @!p0 $0x1FFFFFF0, s16  }
0x53: {  	s17 =	sadd.s32 @!p0 $0xC0, s14;
	s16 =	sadd.s32 @!p0 s2, s16  }
0x54: {  	[hbm:s17], [sflag:s15] =	dma.local @!p0 [hbm:s16], $0x10  }
0x55: {  	(v2sf) =	vpush @!p0 v0, $0xD;
	_ =	sdelay $0xe  }
0x56: {  	s16 =	spop @!p0 (v2sf)  }
0x57: {  	s16 =	sand.u32 @!p0 $0x1FFFFFF0, s16  }
0x58: {  	s17 =	sadd.s32 @!p0 $0xD0, s14;
	s16 =	sadd.s32 @!p0 s2, s16  }
0x59: {  	[hbm:s17], [sflag:s15] =	dma.local @!p0 [hbm:s16], $0x10  }
0x5a: {  	(v2sf) =	vpush @!p0 v0, $0xE;
	_ =	sdelay $0xe  }
0x5b: {  	s16 =	spop @!p0 (v2sf)  }
0x5c: {  	s16 =	sand.u32 @!p0 $0x1FFFFFF0, s16  }
0x5d: {  	s17 =	sadd.s32 @!p0 $0xE0, s14;
	s16 =	sadd.s32 @!p0 s2, s16  }
0x5e: {  	[hbm:s17], [sflag:s15] =	dma.local @!p0 [hbm:s16], $0x10  }
0x5f: {  	(v2sf) =	vpush @!p0 v0, $0xF;
	_ =	sdelay $0xe  }
0x60: {  	s16 =	spop @!p0 (v2sf)  }
0x61: {  	s16 =	sand.u32 @!p0 $0x1FFFFFF0, s16  }
0x62: {  	p1 =	seq.s32 @!p0 s12, $0x0;
	s14 =	sadd.s32 @!p0 $0xF0, s14;
	s16 =	sadd.s32 @!p0 s2, s16  }
0x63: {  	[hbm:s14], [sflag:s15] =	dma.local @!p0 [hbm:s16], $0x10  }
0x64: {  	p0 =	por p0, !p1  }
0x65: {  	_ =	swait.ge @p0 [sflag:s10], $0x100  }
0x66: {  	s12 =	sadd.s32 $0x100, s12;
	[sflag:s10] =	ssyncset.done @p0 $0x0  }
0x67: {  	[sflag:s10] =	ssyncadd.s32 @p0 $0xFFFFFF00;
	p0 =	sne.s32 s12, $0x2100  }
.Ltmp0:
0x68: {  	_ = 	snop;
	(pc) =	sbr.rel @p0 .LBB2_2-.Ltmp0, $2  }
0x69: {  	_ =	sdelay $0x2  }
0x6a: {  	s13 =	sadd.s32 $0x10, s13  }
0x6b: {  	s11 =	sadd.s32 $0x1, s11  }
0x6c: {  	p0 =	sne.s32 s11, s5  }
.Ltmp1:
0x6d: {  	_ = 	snop;
	(pc) =	sbr.rel @p0 .LBB2_1-.Ltmp1, $1  }
0x6e: {  	_ =	sdelay $0x3  }
0x6f: {  	_ =	sfence.sel $0x180000  }
0x70: {  	[bflag:$0x0] =	sbarrier.arrive $0xFFFF  }
0x71: {  	p0 =	sne.s32 s1, $0x0;
	_ =	strace $0x90000047  }
0x72: {  	s0 =	sadd.s32 @!p0 $0x100000, s0;
	[bflag:$0x2] =	sbarrier.arrive $0xFFFF  }
0x73: {  	[sflag:s0] =	ssyncadd.tile.s32 @!p0 $0x1;
	_ =	shalt  }
.Lfunc_end2:
_tile_overlayer_lowered:
.L_overlay_start_2:
0x74: {  	(tag) =	ssettag $0x2  }
0x75: {  	s0 =	rddreg [dreg:$0x0];
	s2 =	stileid.u32  }
0x76: {  	s1 =	rddreg [dreg:$0x1];
	p0 =	sne.s32 s2, $0x0  }
0x77: {  	s3 =	rddreg [dreg:$0x2];
	[bflag:$0x3] =	sbarrier.arrive $0xFFFF;
	s2 =	simm.s32 @!p0 $0x1C02  }
0x78: {  	[timem:s3], [sflag:s2] =	dma.local @!p0 [hbm:s0], s1  }
0x79: {  	s0 =	simm.s32 @!p0 $0x2  }
0x7a: {  	_ =	swait.ge @!p0 [sflag:s0], s1  }
0x7b: {  	s1 =	ssub.s32 @!p0 $0x0, s1;
	[sflag:s0] =	ssyncset.done @!p0 $0x0  }
0x7c: {  	[sflag:s0] =	ssyncadd.s32 @!p0 s1  }
0x7d: {  	[bflag:$0x3] =	sbarrier.arrive $0xFFFF  }
0x7e: {  	_ =	shalt  }

</sc_bundles>
